<compile_context>
chip_gen: v7x
topology: tpu7x:2x2x1
jax: 0.10.2.dev20260603
libtpu: 0.0.44.dev20260713+nightly
codegen_flags: <defaults>
</compile_context>

<pallas_src>
import functools

import jax
import jax.numpy as jnp
from jax import lax
from jax.experimental import pallas as pl
from jax.experimental.pallas import tpu as pltpu
from jax.experimental.pallas import tpu_sc as plsc

NC = 2
NS = 16
NW = NC * NS

B = 4096 * 200
D = 128
BPW = B // NW

V = 10000
VPS = 632

CH = 80
NCHW = BPW // CH
NP = NCHW // 2
IBLK = 32
IBW = IBLK * CH
NIB = NCHW // IBLK

_mesh = plsc.VectorSubcoreMesh(core_axis_name="c", subcore_axis_name="s")


@functools.partial(
    pl.kernel,
    out_type=jax.ShapeDtypeStruct((B, D), jnp.float32),
    mesh=_mesh,
    scratch_types=[
        pltpu.VMEM_SHARED((V, D), jnp.float32),
        pltpu.VMEM((2 * IBW,), jnp.int32),
        pltpu.VMEM((4, CH, D), jnp.float32),
        pltpu.SemaphoreType.DMA,
        pltpu.SemaphoreType.DMA,
        pltpu.SemaphoreType.DMA,
    ],
)
def _gather_kernel(x_hbm, tab_hbm, out_hbm, tab_s, idx_v, rows_v,
                   isem, gsem, wsem):
    cid = lax.axis_index("c")
    sid = lax.axis_index("s")
    wid = sid * NC + cid

    pltpu.async_copy(x_hbm.at[wid, pl.ds(0, IBW)], idx_v.at[pl.ds(0, IBW)], isem)
    @pl.when(sid < NS - 1)
    def _():
        pltpu.sync_copy(tab_hbm.at[pl.ds(sid * VPS, VPS)],
                        tab_s.at[pl.ds(sid * VPS, VPS)])
    @pl.when(sid == NS - 1)
    def _():
        pltpu.sync_copy(tab_hbm.at[pl.ds((NS - 1) * VPS, V - (NS - 1) * VPS)],
                        tab_s.at[pl.ds((NS - 1) * VPS, V - (NS - 1) * VPS)])
    plsc.subcore_barrier()

    base = wid * BPW

    def step(p, carry):
        @pl.when(p < NP)
        def _():
            c0 = 2 * p
            b0 = c0 % 4
            b1 = (c0 + 1) % 4
            blk = c0 // IBLK
            ib = blk % 2

            @pl.when(c0 % IBLK == 0)
            def _():
                pltpu.make_async_copy(
                    x_hbm.at[wid, pl.ds(0, IBW)],
                    idx_v.at[pl.ds(ib * IBW, IBW)], isem).wait()
                @pl.when(blk + 1 < NIB)
                def _():
                    pltpu.async_copy(
                        x_hbm.at[wid, pl.ds((blk + 1) * IBW, IBW)],
                        idx_v.at[pl.ds(((blk + 1) % 2) * IBW, IBW)], isem)

            @pl.when(p >= 2)
            def _():
                pltpu.make_async_copy(
                    rows_v.at[b0], out_hbm.at[pl.ds(base, CH)], wsem).wait()
                pltpu.make_async_copy(
                    rows_v.at[b1], out_hbm.at[pl.ds(base, CH)], wsem).wait()

            o = ib * IBW + (c0 % IBLK) * CH
            pltpu.async_copy(tab_s.at[idx_v.at[pl.ds(o, CH)]],
                             rows_v.at[b0], gsem)
            pltpu.async_copy(tab_s.at[idx_v.at[pl.ds(o + CH, CH)]],
                             rows_v.at[b1], gsem)

        @pl.when(p >= 1)
        def _():
            c0 = 2 * (p - 1)
            b0 = c0 % 4
            b1 = (c0 + 1) % 4
            pltpu.make_async_copy(tab_s.at[pl.ds(0, CH)],
                                  rows_v.at[b0], gsem).wait()
            pltpu.async_copy(rows_v.at[b0],
                             out_hbm.at[pl.ds(base + c0 * CH, CH)], wsem)
            pltpu.make_async_copy(tab_s.at[pl.ds(0, CH)],
                                  rows_v.at[b1], gsem).wait()
            pltpu.async_copy(rows_v.at[b1],
                             out_hbm.at[pl.ds(base + (c0 + 1) * CH, CH)], wsem)
        return carry

    lax.fori_loop(0, NP + 1, step, 0)

    for b in range(4):
        pltpu.make_async_copy(rows_v.at[b], out_hbm.at[pl.ds(base, CH)],
                              wsem).wait()


def kernel(x, embedding):
    xw = x.reshape(NW, BPW).astype(jnp.int32)
    out = _gather_kernel(xw, embedding)
    return out.reshape(x.shape[0], x.shape[1], D)

# --- scband reference (transcript-rebuilt; emitter-appended) ---
"""Pipeline reference for scband-positional-embedding-8624294331047 (READ-ONLY COPY).

The authoritative reference and input builder live on the scoring server;
editing this copy changes nothing except your own understanding.
"""

import math
import jax, jax.numpy as jnp
import numpy as np

DIM = 128
MAX_LENGTH = 10000

def make_embedding(dim: int, max_length: int = 10000) -> jnp.ndarray:
    position = jnp.arange(0, max_length, dtype=jnp.float32)[:, None]
    div_term = jnp.exp(jnp.arange(0, dim, 2, dtype=jnp.float32) * (-math.log(max_length / 2 / math.pi) / dim))
    emb = jnp.zeros((max_length, dim), dtype=jnp.float32)
    emb = emb.at[:, 0::2].set(jnp.sin(position * div_term))
    emb = emb.at[:, 1::2].set(jnp.cos(position * div_term))
    return emb

def setup_inputs(seed: int = 0) -> dict:
    key = jax.random.key(seed)
    x = jax.random.randint(key, (4096, 200), 0, MAX_LENGTH, dtype=jnp.int64 if jax.config.jax_enable_x64 else jnp.int32)
    embedding = make_embedding(DIM, MAX_LENGTH)
    return {"x": x, "embedding": embedding}

def reference(x, embedding):
    # PositionalEmbedding.forward: return self.embedding[x]
    return jnp.take(embedding, x, axis=0)

if __name__ == "__main__":
    import jax
    _d = setup_inputs()
    print(jax.jit(kernel)(*tuple(_d.values())))

</pallas_src>

<mosaic_0001>
#map = affine_map<(d0, d1) -> (0, 0)>
module attributes {stable_mosaic.version = 14 : i64} {
  func.func @_gather_kernel(%arg0: i32, %arg1: i32, %arg2: memref<32x25600xi32, #tpu.memory_space<hbm>>, %arg3: memref<10000x128xf32, #tpu.memory_space<hbm>>, %arg4: memref<819200x128xf32, #tpu.memory_space<hbm>>, %arg5: memref<10000x128xf32, #tpu.memory_space<vmem_shared>>, %arg6: memref<5120xi32, #tpu.memory_space<vmem>>, %arg7: memref<4x80x128xf32, #tpu.memory_space<vmem>>, %arg8: memref<!tpu.dma_semaphore, #tpu.memory_space<semaphore_mem>>, %arg9: memref<!tpu.dma_semaphore, #tpu.memory_space<semaphore_mem>>, %arg10: memref<!tpu.dma_semaphore, #tpu.memory_space<semaphore_mem>>) attributes {dimension_semantics = [#tpu.dimension_semantics<core_parallel>, #tpu.dimension_semantics<subcore_parallel>], iteration_bounds = array<i64: 2, 16>, scalar_prefetch = 0 : i64, scratch_operands = 6 : i64, tpu.core_type = #tpu.core_type<sc_vector_subcore>, window_params = [{transform_indices = #map}, {transform_indices = #map}, {transform_indices = #map}]} {
    %mul3A = arith.constant 2 : i32
    %mul3A_0 = arith.muli %arg1, %mul3A : i32
    %add3A = arith.addi %mul3A_0, %arg0 : i32
    %dma_start3A = arith.constant 0 : i32
    %dma_start3A_1 = tpu.memref_slice %arg6[%dma_start3A] : memref<5120xi32, #tpu.memory_space<vmem>> -> memref<2560xi32, #tpu.memory_space<vmem>>
    %dma_start3A_2 = arith.constant 0 : i32
    %dma_start3A_3 = tpu.memref_slice %arg2[%add3A, %dma_start3A_2] : memref<32x25600xi32, #tpu.memory_space<hbm>> -> memref<1x2560xi32, #tpu.memory_space<hbm>>
    %dma_start3A_4 = tpu.memref_squeeze %dma_start3A_3 : memref<1x2560xi32, #tpu.memory_space<hbm>> -> memref<2560xi32, #tpu.memory_space<hbm>>
    %dma_start3A_5 = arith.constant 0 : i32
    %dma_start3A_6 = tpu.memref_slice %arg6[%dma_start3A_5] : memref<5120xi32, #tpu.memory_space<vmem>> -> memref<2560xi32, #tpu.memory_space<vmem>>
    %dma_start3A_7 = arith.constant 0 : i32
    %dma_start3A_8 = tpu.memref_slice %arg2[%add3A, %dma_start3A_7] : memref<32x25600xi32, #tpu.memory_space<hbm>> -> memref<1x2560xi32, #tpu.memory_space<hbm>>
    %dma_start3A_9 = tpu.memref_squeeze %dma_start3A_8 : memref<1x2560xi32, #tpu.memory_space<hbm>> -> memref<2560xi32, #tpu.memory_space<hbm>>
    tpu.enqueue_dma source(%dma_start3A_9 : memref<2560xi32, #tpu.memory_space<hbm>>) target(%dma_start3A_6 : memref<2560xi32, #tpu.memory_space<vmem>>) target_semaphore(%arg8 : memref<!tpu.dma_semaphore, #tpu.memory_space<semaphore_mem>>)
    %lt3A = arith.constant 15 : i32
    %lt3A_10 = arith.cmpi slt, %arg1, %lt3A : i32
    %convert_element_type3A = arith.extui %lt3A_10 : i1 to i32
    %cond3A = arith.constant 0 : i32
    %cond3A_11 = arith.cmpi ne, %convert_element_type3A, %cond3A : i32
    scf.if %cond3A_11 {
      %mul3A_74 = arith.constant 632 : i32
      %mul3A_75 = arith.muli %arg1, %mul3A_74 : i32
      %mul3A_76 = arith.constant 632 : i32
      %mul3A_77 = arith.muli %arg1, %mul3A_76 : i32
      "tpu.region"() ({
        %run_scoped3A = tpu.sem_alloc : memref<!tpu.dma_semaphore, #tpu.memory_space<semaphore_mem>>
        %dma_start3A_78 = arith.constant 0 : i32
        %dma_start3A_79 = tpu.memref_slice %arg5[%mul3A_77, %dma_start3A_78] : memref<10000x128xf32, #tpu.memory_space<vmem_shared>> -> memref<632x128xf32, #tpu.memory_space<vmem_shared>>
        %dma_start3A_80 = arith.constant 0 : i32
        %dma_start3A_81 = tpu.memref_slice %arg3[%mul3A_75, %dma_start3A_80] : memref<10000x128xf32, #tpu.memory_space<hbm>> -> memref<632x128xf32, #tpu.memory_space<hbm>>
        tpu.enqueue_dma source(%dma_start3A_81 : memref<632x128xf32, #tpu.memory_space<hbm>>) target(%dma_start3A_79 : memref<632x128xf32, #tpu.memory_space<vmem_shared>>) target_semaphore(%run_scoped3A : memref<!tpu.dma_semaphore, #tpu.memory_space<semaphore_mem>>)
        %dma_wait3A_82 = arith.constant 0 : i32
        %dma_wait3A_83 = tpu.memref_slice %arg5[%mul3A_77, %dma_wait3A_82] : memref<10000x128xf32, #tpu.memory_space<vmem_shared>> -> memref<632x128xf32, #tpu.memory_space<vmem_shared>>
        %dma_wait3A_84 = arith.constant 0 : i32
        %dma_wait3A_85 = tpu.memref_slice %arg3[%mul3A_75, %dma_wait3A_84] : memref<10000x128xf32, #tpu.memory_space<hbm>> -> memref<632x128xf32, #tpu.memory_space<hbm>>
        tpu.wait_dma2 semaphore(%run_scoped3A : memref<!tpu.dma_semaphore, #tpu.memory_space<semaphore_mem>>) src(%dma_wait3A_85 : memref<632x128xf32, #tpu.memory_space<hbm>>) dst(%dma_wait3A_83 : memref<632x128xf32, #tpu.memory_space<vmem_shared>>)
        tpu.yield
      }) : () -> ()
    } else {
    }
    %eq3A = arith.constant 15 : i32
    %eq3A_12 = arith.cmpi eq, %arg1, %eq3A : i32
    %convert_element_type3A_13 = arith.extui %eq3A_12 : i1 to i32
    %cond3A_14 = arith.constant 0 : i32
    %cond3A_15 = arith.cmpi ne, %convert_element_type3A_13, %cond3A_14 : i32
    scf.if %cond3A_15 {
      "tpu.region"() ({
        %run_scoped3A = tpu.sem_alloc : memref<!tpu.dma_semaphore, #tpu.memory_space<semaphore_mem>>
        %dma_start3A_74 = arith.constant 9480 : i32
        %dma_start3A_75 = arith.constant 0 : i32
        %dma_start3A_76 = tpu.memref_slice %arg5[%dma_start3A_74, %dma_start3A_75] : memref<10000x128xf32, #tpu.memory_space<vmem_shared>> -> memref<520x128xf32, #tpu.memory_space<vmem_shared>>
        %dma_start3A_77 = arith.constant 9480 : i32
        %dma_start3A_78 = arith.constant 0 : i32
        %dma_start3A_79 = tpu.memref_slice %arg3[%dma_start3A_77, %dma_start3A_78] : memref<10000x128xf32, #tpu.memory_space<hbm>> -> memref<520x128xf32, #tpu.memory_space<hbm>>
        tpu.enqueue_dma source(%dma_start3A_79 : memref<520x128xf32, #tpu.memory_space<hbm>>) target(%dma_start3A_76 : memref<520x128xf32, #tpu.memory_space<vmem_shared>>) target_semaphore(%run_scoped3A : memref<!tpu.dma_semaphore, #tpu.memory_space<semaphore_mem>>)
        %dma_wait3A_80 = arith.constant 9480 : i32
        %dma_wait3A_81 = arith.constant 0 : i32
        %dma_wait3A_82 = tpu.memref_slice %arg5[%dma_wait3A_80, %dma_wait3A_81] : memref<10000x128xf32, #tpu.memory_space<vmem_shared>> -> memref<520x128xf32, #tpu.memory_space<vmem_shared>>
        %dma_wait3A_83 = arith.constant 9480 : i32
        %dma_wait3A_84 = arith.constant 0 : i32
        %dma_wait3A_85 = tpu.memref_slice %arg3[%dma_wait3A_83, %dma_wait3A_84] : memref<10000x128xf32, #tpu.memory_space<hbm>> -> memref<520x128xf32, #tpu.memory_space<hbm>>
        tpu.wait_dma2 semaphore(%run_scoped3A : memref<!tpu.dma_semaphore, #tpu.memory_space<semaphore_mem>>) src(%dma_wait3A_85 : memref<520x128xf32, #tpu.memory_space<hbm>>) dst(%dma_wait3A_82 : memref<520x128xf32, #tpu.memory_space<vmem_shared>>)
        tpu.yield
      }) : () -> ()
    } else {
    }
    %barrier3A = arith.constant 0 : index
    tpu.barrier barrier_id(%barrier3A)
    %mul3A_16 = arith.constant 25600 : i32
    %mul3A_17 = arith.muli %add3A, %mul3A_16 : i32
    %scan3A = arith.constant 0 : i32
    %scan3A_18 = arith.constant 0 : i32
    %scan3A_19 = arith.constant 161 : i32
    %scan3A_20 = arith.addi %scan3A_18, %scan3A_19 : i32
    %scan3A_21 = arith.constant 1 : i32
    scf.for %scan3A_74 = %scan3A_18 to %scan3A_20 step %scan3A_21  : i32 {
      %lt3A_75 = arith.constant 160 : i32
      %lt3A_76 = arith.cmpi slt, %scan3A_74, %lt3A_75 : i32
      %convert_element_type3A_77 = arith.extui %lt3A_76 : i1 to i32
      %cond3A_78 = arith.constant 0 : i32
      %cond3A_79 = arith.cmpi ne, %convert_element_type3A_77, %cond3A_78 : i32
      scf.if %cond3A_79 {
        %mul3A_84 = arith.constant 2 : i32
        %mul3A_85 = arith.muli %mul3A_84, %scan3A_74 : i32
        %jit3A = arith.constant 4 : i32
        %eq3A_86 = arith.constant 0 : i32
        %eq3A_87 = arith.cmpi eq, %jit3A, %eq3A_86 : i32
        %jit3A_88 = arith.constant 1 : i32
        %select_n3A = arith.select %eq3A_87, %jit3A_88, %jit3A : i32
        %rem3A = arith.remsi %mul3A_85, %select_n3A : i32
        %ne3A = arith.constant 0 : i32
        %ne3A_89 = arith.cmpi ne, %rem3A, %ne3A : i32
        %lt3A_90 = arith.constant 0 : i32
        %lt3A_91 = arith.cmpi slt, %rem3A, %lt3A_90 : i32
        %lt3A_92 = arith.constant 0 : i32
        %lt3A_93 = arith.cmpi slt, %select_n3A, %lt3A_92 : i32
        %ne3A_94 = arith.xori %lt3A_91, %lt3A_93 : i1
        %and3A = arith.andi %ne3A_94, %ne3A_89 : i1
        %add3A_95 = arith.addi %rem3A, %select_n3A : i32
        %select_n3A_96 = arith.select %and3A, %add3A_95, %rem3A : i32
        %add3A_97 = arith.constant 1 : i32
        %add3A_98 = arith.addi %mul3A_85, %add3A_97 : i32
        %jit3A_99 = arith.constant 4 : i32
        %eq3A_100 = arith.constant 0 : i32
        %eq3A_101 = arith.cmpi eq, %jit3A_99, %eq3A_100 : i32
        %jit3A_102 = arith.constant 1 : i32
        %select_n3A_103 = arith.select %eq3A_101, %jit3A_102, %jit3A_99 : i32
        %rem3A_104 = arith.remsi %add3A_98, %select_n3A_103 : i32
        %ne3A_105 = arith.constant 0 : i32
        %ne3A_106 = arith.cmpi ne, %rem3A_104, %ne3A_105 : i32
        %lt3A_107 = arith.constant 0 : i32
        %lt3A_108 = arith.cmpi slt, %rem3A_104, %lt3A_107 : i32
        %lt3A_109 = arith.constant 0 : i32
        %lt3A_110 = arith.cmpi slt, %select_n3A_103, %lt3A_109 : i32
        %ne3A_111 = arith.xori %lt3A_108, %lt3A_110 : i1
        %and3A_112 = arith.andi %ne3A_111, %ne3A_106 : i1
        %add3A_113 = arith.addi %rem3A_104, %select_n3A_103 : i32
        %select_n3A_114 = arith.select %and3A_112, %add3A_113, %rem3A_104 : i32
        %jit3A_115 = arith.constant 32 : i32
        %div3A = arith.divsi %mul3A_85, %jit3A_115 : i32
        %sign3A = arith.constant 0 : i32
        %sign3A_116 = arith.cmpi sgt, %mul3A_85, %sign3A : i32
        %sign3A_117 = arith.extui %sign3A_116 : i1 to i32
        %sign3A_118 = arith.constant 0 : i32
        %sign3A_119 = arith.cmpi slt, %mul3A_85, %sign3A_118 : i32
        %sign3A_120 = arith.extui %sign3A_119 : i1 to i32
        %sign3A_121 = arith.subi %sign3A_117, %sign3A_120 : i32
        %sign3A_122 = arith.constant 0 : i32
        %sign3A_123 = arith.cmpi sgt, %jit3A_115, %sign3A_122 : i32
        %sign3A_124 = arith.extui %sign3A_123 : i1 to i32
        %sign3A_125 = arith.constant 0 : i32
        %sign3A_126 = arith.cmpi slt, %jit3A_115, %sign3A_125 : i32
        %sign3A_127 = arith.extui %sign3A_126 : i1 to i32
        %sign3A_128 = arith.subi %sign3A_124, %sign3A_127 : i32
        %ne3A_129 = arith.cmpi ne, %sign3A_121, %sign3A_128 : i32
        %rem3A_130 = arith.remsi %mul3A_85, %jit3A_115 : i32
        %ne3A_131 = arith.constant 0 : i32
        %ne3A_132 = arith.cmpi ne, %rem3A_130, %ne3A_131 : i32
        %and3A_133 = arith.andi %ne3A_129, %ne3A_132 : i1
        %sub3A = arith.constant 1 : i32
        %sub3A_134 = arith.subi %div3A, %sub3A : i32
        %select_n3A_135 = arith.select %and3A_133, %sub3A_134, %div3A : i32
        %jit3A_136 = arith.constant 2 : i32
        %eq3A_137 = arith.constant 0 : i32
        %eq3A_138 = arith.cmpi eq, %jit3A_136, %eq3A_137 : i32
        %jit3A_139 = arith.constant 1 : i32
        %select_n3A_140 = arith.select %eq3A_138, %jit3A_139, %jit3A_136 : i32
        %rem3A_141 = arith.remsi %select_n3A_135, %select_n3A_140 : i32
        %ne3A_142 = arith.constant 0 : i32
        %ne3A_143 = arith.cmpi ne, %rem3A_141, %ne3A_142 : i32
        %lt3A_144 = arith.constant 0 : i32
        %lt3A_145 = arith.cmpi slt, %rem3A_141, %lt3A_144 : i32
        %lt3A_146 = arith.constant 0 : i32
        %lt3A_147 = arith.cmpi slt, %select_n3A_140, %lt3A_146 : i32
        %ne3A_148 = arith.xori %lt3A_145, %lt3A_147 : i1
        %and3A_149 = arith.andi %ne3A_148, %ne3A_143 : i1
        %add3A_150 = arith.addi %rem3A_141, %select_n3A_140 : i32
        %select_n3A_151 = arith.select %and3A_149, %add3A_150, %rem3A_141 : i32
        %jit3A_152 = arith.constant 32 : i32
        %eq3A_153 = arith.constant 0 : i32
        %eq3A_154 = arith.cmpi eq, %jit3A_152, %eq3A_153 : i32
        %jit3A_155 = arith.constant 1 : i32
        %select_n3A_156 = arith.select %eq3A_154, %jit3A_155, %jit3A_152 : i32
        %rem3A_157 = arith.remsi %mul3A_85, %select_n3A_156 : i32
        %ne3A_158 = arith.constant 0 : i32
        %ne3A_159 = arith.cmpi ne, %rem3A_157, %ne3A_158 : i32
        %lt3A_160 = arith.constant 0 : i32
        %lt3A_161 = arith.cmpi slt, %rem3A_157, %lt3A_160 : i32
        %lt3A_162 = arith.constant 0 : i32
        %lt3A_163 = arith.cmpi slt, %select_n3A_156, %lt3A_162 : i32
        %ne3A_164 = arith.xori %lt3A_161, %lt3A_163 : i1
        %and3A_165 = arith.andi %ne3A_164, %ne3A_159 : i1
        %add3A_166 = arith.addi %rem3A_157, %select_n3A_156 : i32
        %select_n3A_167 = arith.select %and3A_165, %add3A_166, %rem3A_157 : i32
        %eq3A_168 = arith.constant 0 : i32
        %eq3A_169 = arith.cmpi eq, %select_n3A_167, %eq3A_168 : i32
        %convert_element_type3A_170 = arith.extui %eq3A_169 : i1 to i32
        %cond3A_171 = arith.constant 0 : i32
        %cond3A_172 = arith.cmpi ne, %convert_element_type3A_170, %cond3A_171 : i32
        scf.if %cond3A_172 {
          %mul3A_217 = arith.constant 2560 : i32
          %mul3A_218 = arith.muli %select_n3A_151, %mul3A_217 : i32
          %dma_wait3A_219 = tpu.memref_slice %arg6[%mul3A_218] : memref<5120xi32, #tpu.memory_space<vmem>> -> memref<2560xi32, #tpu.memory_space<vmem>>
          %dma_wait3A_220 = arith.constant 0 : i32
          %dma_wait3A_221 = tpu.memref_slice %arg2[%add3A, %dma_wait3A_220] : memref<32x25600xi32, #tpu.memory_space<hbm>> -> memref<1x2560xi32, #tpu.memory_space<hbm>>
          %dma_wait3A_222 = tpu.memref_squeeze %dma_wait3A_221 : memref<1x2560xi32, #tpu.memory_space<hbm>> -> memref<2560xi32, #tpu.memory_space<hbm>>
          %dma_wait3A_223 = tpu.memref_slice %arg6[%mul3A_218] : memref<5120xi32, #tpu.memory_space<vmem>> -> memref<2560xi32, #tpu.memory_space<vmem>>
          %dma_wait3A_224 = arith.constant 0 : i32
          %dma_wait3A_225 = tpu.memref_slice %arg2[%add3A, %dma_wait3A_224] : memref<32x25600xi32, #tpu.memory_space<hbm>> -> memref<1x2560xi32, #tpu.memory_space<hbm>>
          %dma_wait3A_226 = tpu.memref_squeeze %dma_wait3A_225 : memref<1x2560xi32, #tpu.memory_space<hbm>> -> memref<2560xi32, #tpu.memory_space<hbm>>
          tpu.wait_dma2 semaphore(%arg8 : memref<!tpu.dma_semaphore, #tpu.memory_space<semaphore_mem>>) src(%dma_wait3A_226 : memref<2560xi32, #tpu.memory_space<hbm>>) dst(%dma_wait3A_223 : memref<2560xi32, #tpu.memory_space<vmem>>)
          %add3A_227 = arith.constant 1 : i32
          %add3A_228 = arith.addi %select_n3A_135, %add3A_227 : i32
          %lt3A_229 = arith.constant 10 : i32
          %lt3A_230 = arith.cmpi slt, %add3A_228, %lt3A_229 : i32
          %convert_element_type3A_231 = arith.extui %lt3A_230 : i1 to i32
          %cond3A_232 = arith.constant 0 : i32
          %cond3A_233 = arith.cmpi ne, %convert_element_type3A_231, %cond3A_232 : i32
          scf.if %cond3A_233 {
            %add3A_234 = arith.constant 1 : i32
            %add3A_235 = arith.addi %select_n3A_135, %add3A_234 : i32
            %mul3A_236 = arith.constant 2560 : i32
            %mul3A_237 = arith.muli %add3A_235, %mul3A_236 : i32
            %add3A_238 = arith.constant 1 : i32
            %add3A_239 = arith.addi %select_n3A_135, %add3A_238 : i32
            %jit3A_240 = arith.constant 2 : i32
            %eq3A_241 = arith.constant 0 : i32
            %eq3A_242 = arith.cmpi eq, %jit3A_240, %eq3A_241 : i32
            %jit3A_243 = arith.constant 1 : i32
            %select_n3A_244 = arith.select %eq3A_242, %jit3A_243, %jit3A_240 : i32
            %rem3A_245 = arith.remsi %add3A_239, %select_n3A_244 : i32
            %ne3A_246 = arith.constant 0 : i32
            %ne3A_247 = arith.cmpi ne, %rem3A_245, %ne3A_246 : i32
            %lt3A_248 = arith.constant 0 : i32
            %lt3A_249 = arith.cmpi slt, %rem3A_245, %lt3A_248 : i32
            %lt3A_250 = arith.constant 0 : i32
            %lt3A_251 = arith.cmpi slt, %select_n3A_244, %lt3A_250 : i32
            %ne3A_252 = arith.xori %lt3A_249, %lt3A_251 : i1
            %and3A_253 = arith.andi %ne3A_252, %ne3A_247 : i1
            %add3A_254 = arith.addi %rem3A_245, %select_n3A_244 : i32
            %select_n3A_255 = arith.select %and3A_253, %add3A_254, %rem3A_245 : i32
            %mul3A_256 = arith.constant 2560 : i32
            %mul3A_257 = arith.muli %select_n3A_255, %mul3A_256 : i32
            %dma_start3A_258 = tpu.memref_slice %arg6[%mul3A_257] : memref<5120xi32, #tpu.memory_space<vmem>> -> memref<2560xi32, #tpu.memory_space<vmem>>
            %dma_start3A_259 = tpu.memref_slice %arg2[%add3A, %mul3A_237] : memref<32x25600xi32, #tpu.memory_space<hbm>> -> memref<1x2560xi32, #tpu.memory_space<hbm>>
            %dma_start3A_260 = tpu.memref_squeeze %dma_start3A_259 : memref<1x2560xi32, #tpu.memory_space<hbm>> -> memref<2560xi32, #tpu.memory_space<hbm>>
            %dma_start3A_261 = tpu.memref_slice %arg6[%mul3A_257] : memref<5120xi32, #tpu.memory_space<vmem>> -> memref<2560xi32, #tpu.memory_space<vmem>>
            %dma_start3A_262 = tpu.memref_slice %arg2[%add3A, %mul3A_237] : memref<32x25600xi32, #tpu.memory_space<hbm>> -> memref<1x2560xi32, #tpu.memory_space<hbm>>
            %dma_start3A_263 = tpu.memref_squeeze %dma_start3A_262 : memref<1x2560xi32, #tpu.memory_space<hbm>> -> memref<2560xi32, #tpu.memory_space<hbm>>
            tpu.enqueue_dma source(%dma_start3A_263 : memref<2560xi32, #tpu.memory_space<hbm>>) target(%dma_start3A_261 : memref<2560xi32, #tpu.memory_space<vmem>>) target_semaphore(%arg8 : memref<!tpu.dma_semaphore, #tpu.memory_space<semaphore_mem>>)
          } else {
          }
        } else {
        }
        %ge3A_173 = arith.constant 2 : i32
        %ge3A_174 = arith.cmpi sge, %scan3A_74, %ge3A_173 : i32
        %convert_element_type3A_175 = arith.extui %ge3A_174 : i1 to i32
        %cond3A_176 = arith.constant 0 : i32
        %cond3A_177 = arith.cmpi ne, %convert_element_type3A_175, %cond3A_176 : i32
        scf.if %cond3A_177 {
          %dma_wait3A_217 = arith.constant 0 : i32
          %dma_wait3A_218 = arith.constant 0 : i32
          %dma_wait3A_219 = tpu.memref_slice %arg7[%select_n3A_96, %dma_wait3A_217, %dma_wait3A_218] : memref<4x80x128xf32, #tpu.memory_space<vmem>> -> memref<1x80x128xf32, #tpu.memory_space<vmem>>
          %dma_wait3A_220 = tpu.memref_squeeze %dma_wait3A_219 : memref<1x80x128xf32, #tpu.memory_space<vmem>> -> memref<80x128xf32, #tpu.memory_space<vmem>>
          %dma_wait3A_221 = arith.constant 0 : i32
          %dma_wait3A_222 = tpu.memref_slice %arg4[%mul3A_17, %dma_wait3A_221] : memref<819200x128xf32, #tpu.memory_space<hbm>> -> memref<80x128xf32, #tpu.memory_space<hbm>>
          %dma_wait3A_223 = arith.constant 0 : i32
          %dma_wait3A_224 = tpu.memref_slice %arg4[%mul3A_17, %dma_wait3A_223] : memref<819200x128xf32, #tpu.memory_space<hbm>> -> memref<80x128xf32, #tpu.memory_space<hbm>>
          %dma_wait3A_225 = arith.constant 0 : i32
          %dma_wait3A_226 = arith.constant 0 : i32
          %dma_wait3A_227 = tpu.memref_slice %arg7[%select_n3A_96, %dma_wait3A_225, %dma_wait3A_226] : memref<4x80x128xf32, #tpu.memory_space<vmem>> -> memref<1x80x128xf32, #tpu.memory_space<vmem>>
          %dma_wait3A_228 = tpu.memref_squeeze %dma_wait3A_227 : memref<1x80x128xf32, #tpu.memory_space<vmem>> -> memref<80x128xf32, #tpu.memory_space<vmem>>
          tpu.wait_dma2 semaphore(%arg10 : memref<!tpu.dma_semaphore, #tpu.memory_space<semaphore_mem>>) src(%dma_wait3A_228 : memref<80x128xf32, #tpu.memory_space<vmem>>) dst(%dma_wait3A_224 : memref<80x128xf32, #tpu.memory_space<hbm>>)
          %dma_wait3A_229 = arith.constant 0 : i32
          %dma_wait3A_230 = arith.constant 0 : i32
          %dma_wait3A_231 = tpu.memref_slice %arg7[%select_n3A_114, %dma_wait3A_229, %dma_wait3A_230] : memref<4x80x128xf32, #tpu.memory_space<vmem>> -> memref<1x80x128xf32, #tpu.memory_space<vmem>>
          %dma_wait3A_232 = tpu.memref_squeeze %dma_wait3A_231 : memref<1x80x128xf32, #tpu.memory_space<vmem>> -> memref<80x128xf32, #tpu.memory_space<vmem>>
          %dma_wait3A_233 = arith.constant 0 : i32
          %dma_wait3A_234 = tpu.memref_slice %arg4[%mul3A_17, %dma_wait3A_233] : memref<819200x128xf32, #tpu.memory_space<hbm>> -> memref<80x128xf32, #tpu.memory_space<hbm>>
          %dma_wait3A_235 = arith.constant 0 : i32
          %dma_wait3A_236 = tpu.memref_slice %arg4[%mul3A_17, %dma_wait3A_235] : memref<819200x128xf32, #tpu.memory_space<hbm>> -> memref<80x128xf32, #tpu.memory_space<hbm>>
          %dma_wait3A_237 = arith.constant 0 : i32
          %dma_wait3A_238 = arith.constant 0 : i32
          %dma_wait3A_239 = tpu.memref_slice %arg7[%select_n3A_114, %dma_wait3A_237, %dma_wait3A_238] : memref<4x80x128xf32, #tpu.memory_space<vmem>> -> memref<1x80x128xf32, #tpu.memory_space<vmem>>
          %dma_wait3A_240 = tpu.memref_squeeze %dma_wait3A_239 : memref<1x80x128xf32, #tpu.memory_space<vmem>> -> memref<80x128xf32, #tpu.memory_space<vmem>>
          tpu.wait_dma2 semaphore(%arg10 : memref<!tpu.dma_semaphore, #tpu.memory_space<semaphore_mem>>) src(%dma_wait3A_240 : memref<80x128xf32, #tpu.memory_space<vmem>>) dst(%dma_wait3A_236 : memref<80x128xf32, #tpu.memory_space<hbm>>)
        } else {
        }
        %mul3A_178 = arith.constant 2560 : i32
        %mul3A_179 = arith.muli %select_n3A_151, %mul3A_178 : i32
        %jit3A_180 = arith.constant 32 : i32
        %eq3A_181 = arith.constant 0 : i32
        %eq3A_182 = arith.cmpi eq, %jit3A_180, %eq3A_181 : i32
        %jit3A_183 = arith.constant 1 : i32
        %select_n3A_184 = arith.select %eq3A_182, %jit3A_183, %jit3A_180 : i32
        %rem3A_185 = arith.remsi %mul3A_85, %select_n3A_184 : i32
        %ne3A_186 = arith.constant 0 : i32
        %ne3A_187 = arith.cmpi ne, %rem3A_185, %ne3A_186 : i32
        %lt3A_188 = arith.constant 0 : i32
        %lt3A_189 = arith.cmpi slt, %rem3A_185, %lt3A_188 : i32
        %lt3A_190 = arith.constant 0 : i32
        %lt3A_191 = arith.cmpi slt, %select_n3A_184, %lt3A_190 : i32
        %ne3A_192 = arith.xori %lt3A_189, %lt3A_191 : i1
        %and3A_193 = arith.andi %ne3A_192, %ne3A_187 : i1
        %add3A_194 = arith.addi %rem3A_185, %select_n3A_184 : i32
        %select_n3A_195 = arith.select %and3A_193, %add3A_194, %rem3A_185 : i32
        %mul3A_196 = arith.constant 80 : i32
        %mul3A_197 = arith.muli %select_n3A_195, %mul3A_196 : i32
        %add3A_198 = arith.addi %mul3A_179, %mul3A_197 : i32
        %dma_start3A_199 = arith.constant 0 : i32
        %dma_start3A_200 = arith.constant 0 : i32
        %dma_start3A_201 = tpu.memref_slice %arg7[%select_n3A_96, %dma_start3A_199, %dma_start3A_200] : memref<4x80x128xf32, #tpu.memory_space<vmem>> -> memref<1x80x128xf32, #tpu.memory_space<vmem>>
        %dma_start3A_202 = tpu.memref_squeeze %dma_start3A_201 : memref<1x80x128xf32, #tpu.memory_space<vmem>> -> memref<80x128xf32, #tpu.memory_space<vmem>>
        %dma_start3A_203 = tpu.memref_slice %arg6[%add3A_198] : memref<5120xi32, #tpu.memory_space<vmem>> -> memref<80xi32, #tpu.memory_space<vmem>>
        %dma_start3A_204 = arith.constant 0 : i32
        %dma_start3A_205 = arith.constant 0 : i32
        %dma_start3A_206 = tpu.memref_slice %arg5[%dma_start3A_204, %dma_start3A_205] : memref<10000x128xf32, #tpu.memory_space<vmem_shared>> -> memref<10000x128xf32, #tpu.memory_space<vmem_shared>>
        tpu.enqueue_indirect_dma source(%dma_start3A_206 : memref<10000x128xf32, #tpu.memory_space<vmem_shared>>) target(%dma_start3A_202 : memref<80x128xf32, #tpu.memory_space<vmem>>) offsets(%dma_start3A_203 : memref<80xi32, #tpu.memory_space<vmem>>) semaphore(%arg9 : memref<!tpu.dma_semaphore, #tpu.memory_space<semaphore_mem>>)
        %add3A_207 = arith.constant 80 : i32
        %add3A_208 = arith.addi %add3A_198, %add3A_207 : i32
        %dma_start3A_209 = arith.constant 0 : i32
        %dma_start3A_210 = arith.constant 0 : i32
        %dma_start3A_211 = tpu.memref_slice %arg7[%select_n3A_114, %dma_start3A_209, %dma_start3A_210] : memref<4x80x128xf32, #tpu.memory_space<vmem>> -> memref<1x80x128xf32, #tpu.memory_space<vmem>>
        %dma_start3A_212 = tpu.memref_squeeze %dma_start3A_211 : memref<1x80x128xf32, #tpu.memory_space<vmem>> -> memref<80x128xf32, #tpu.memory_space<vmem>>
        %dma_start3A_213 = tpu.memref_slice %arg6[%add3A_208] : memref<5120xi32, #tpu.memory_space<vmem>> -> memref<80xi32, #tpu.memory_space<vmem>>
        %dma_start3A_214 = arith.constant 0 : i32
        %dma_start3A_215 = arith.constant 0 : i32
        %dma_start3A_216 = tpu.memref_slice %arg5[%dma_start3A_214, %dma_start3A_215] : memref<10000x128xf32, #tpu.memory_space<vmem_shared>> -> memref<10000x128xf32, #tpu.memory_space<vmem_shared>>
        tpu.enqueue_indirect_dma source(%dma_start3A_216 : memref<10000x128xf32, #tpu.memory_space<vmem_shared>>) target(%dma_start3A_212 : memref<80x128xf32, #tpu.memory_space<vmem>>) offsets(%dma_start3A_213 : memref<80xi32, #tpu.memory_space<vmem>>) semaphore(%arg9 : memref<!tpu.dma_semaphore, #tpu.memory_space<semaphore_mem>>)
      } else {
      }
      %ge3A = arith.constant 1 : i32
      %ge3A_80 = arith.cmpi sge, %scan3A_74, %ge3A : i32
      %convert_element_type3A_81 = arith.extui %ge3A_80 : i1 to i32
      %cond3A_82 = arith.constant 0 : i32
      %cond3A_83 = arith.cmpi ne, %convert_element_type3A_81, %cond3A_82 : i32
      scf.if %cond3A_83 {
        %sub3A = arith.constant 1 : i32
        %sub3A_84 = arith.subi %scan3A_74, %sub3A : i32
        %mul3A_85 = arith.constant 2 : i32
        %mul3A_86 = arith.muli %mul3A_85, %sub3A_84 : i32
        %jit3A = arith.constant 4 : i32
        %eq3A_87 = arith.constant 0 : i32
        %eq3A_88 = arith.cmpi eq, %jit3A, %eq3A_87 : i32
        %jit3A_89 = arith.constant 1 : i32
        %select_n3A = arith.select %eq3A_88, %jit3A_89, %jit3A : i32
        %rem3A = arith.remsi %mul3A_86, %select_n3A : i32
        %ne3A = arith.constant 0 : i32
        %ne3A_90 = arith.cmpi ne, %rem3A, %ne3A : i32
        %lt3A_91 = arith.constant 0 : i32
        %lt3A_92 = arith.cmpi slt, %rem3A, %lt3A_91 : i32
        %lt3A_93 = arith.constant 0 : i32
        %lt3A_94 = arith.cmpi slt, %select_n3A, %lt3A_93 : i32
        %ne3A_95 = arith.xori %lt3A_92, %lt3A_94 : i1
        %and3A = arith.andi %ne3A_95, %ne3A_90 : i1
        %add3A_96 = arith.addi %rem3A, %select_n3A : i32
        %select_n3A_97 = arith.select %and3A, %add3A_96, %rem3A : i32
        %add3A_98 = arith.constant 1 : i32
        %add3A_99 = arith.addi %mul3A_86, %add3A_98 : i32
        %jit3A_100 = arith.constant 4 : i32
        %eq3A_101 = arith.constant 0 : i32
        %eq3A_102 = arith.cmpi eq, %jit3A_100, %eq3A_101 : i32
        %jit3A_103 = arith.constant 1 : i32
        %select_n3A_104 = arith.select %eq3A_102, %jit3A_103, %jit3A_100 : i32
        %rem3A_105 = arith.remsi %add3A_99, %select_n3A_104 : i32
        %ne3A_106 = arith.constant 0 : i32
        %ne3A_107 = arith.cmpi ne, %rem3A_105, %ne3A_106 : i32
        %lt3A_108 = arith.constant 0 : i32
        %lt3A_109 = arith.cmpi slt, %rem3A_105, %lt3A_108 : i32
        %lt3A_110 = arith.constant 0 : i32
        %lt3A_111 = arith.cmpi slt, %select_n3A_104, %lt3A_110 : i32
        %ne3A_112 = arith.xori %lt3A_109, %lt3A_111 : i1
        %and3A_113 = arith.andi %ne3A_112, %ne3A_107 : i1
        %add3A_114 = arith.addi %rem3A_105, %select_n3A_104 : i32
        %select_n3A_115 = arith.select %and3A_113, %add3A_114, %rem3A_105 : i32
        %dma_wait3A_116 = arith.constant 0 : i32
        %dma_wait3A_117 = arith.constant 0 : i32
        %dma_wait3A_118 = tpu.memref_slice %arg7[%select_n3A_97, %dma_wait3A_116, %dma_wait3A_117] : memref<4x80x128xf32, #tpu.memory_space<vmem>> -> memref<1x80x128xf32, #tpu.memory_space<vmem>>
        %dma_wait3A_119 = tpu.memref_squeeze %dma_wait3A_118 : memref<1x80x128xf32, #tpu.memory_space<vmem>> -> memref<80x128xf32, #tpu.memory_space<vmem>>
        %dma_wait3A_120 = arith.constant 0 : i32
        %dma_wait3A_121 = arith.constant 0 : i32
        %dma_wait3A_122 = tpu.memref_slice %arg5[%dma_wait3A_120, %dma_wait3A_121] : memref<10000x128xf32, #tpu.memory_space<vmem_shared>> -> memref<80x128xf32, #tpu.memory_space<vmem_shared>>
        %dma_wait3A_123 = arith.constant 0 : i32
        %dma_wait3A_124 = arith.constant 0 : i32
        %dma_wait3A_125 = tpu.memref_slice %arg7[%select_n3A_97, %dma_wait3A_123, %dma_wait3A_124] : memref<4x80x128xf32, #tpu.memory_space<vmem>> -> memref<1x80x128xf32, #tpu.memory_space<vmem>>
        %dma_wait3A_126 = tpu.memref_squeeze %dma_wait3A_125 : memref<1x80x128xf32, #tpu.memory_space<vmem>> -> memref<80x128xf32, #tpu.memory_space<vmem>>
        %dma_wait3A_127 = arith.constant 0 : i32
        %dma_wait3A_128 = arith.constant 0 : i32
        %dma_wait3A_129 = tpu.memref_slice %arg5[%dma_wait3A_127, %dma_wait3A_128] : memref<10000x128xf32, #tpu.memory_space<vmem_shared>> -> memref<80x128xf32, #tpu.memory_space<vmem_shared>>
        tpu.wait_dma2 semaphore(%arg9 : memref<!tpu.dma_semaphore, #tpu.memory_space<semaphore_mem>>) src(%dma_wait3A_129 : memref<80x128xf32, #tpu.memory_space<vmem_shared>>) dst(%dma_wait3A_126 : memref<80x128xf32, #tpu.memory_space<vmem>>)
        %mul3A_130 = arith.constant 80 : i32
        %mul3A_131 = arith.muli %mul3A_86, %mul3A_130 : i32
        %add3A_132 = arith.addi %mul3A_17, %mul3A_131 : i32
        %dma_start3A_133 = arith.constant 0 : i32
        %dma_start3A_134 = arith.constant 0 : i32
        %dma_start3A_135 = tpu.memref_slice %arg7[%select_n3A_97, %dma_start3A_133, %dma_start3A_134] : memref<4x80x128xf32, #tpu.memory_space<vmem>> -> memref<1x80x128xf32, #tpu.memory_space<vmem>>
        %dma_start3A_136 = tpu.memref_squeeze %dma_start3A_135 : memref<1x80x128xf32, #tpu.memory_space<vmem>> -> memref<80x128xf32, #tpu.memory_space<vmem>>
        %dma_start3A_137 = arith.constant 0 : i32
        %dma_start3A_138 = tpu.memref_slice %arg4[%add3A_132, %dma_start3A_137] : memref<819200x128xf32, #tpu.memory_space<hbm>> -> memref<80x128xf32, #tpu.memory_space<hbm>>
        %dma_start3A_139 = arith.constant 0 : i32
        %dma_start3A_140 = tpu.memref_slice %arg4[%add3A_132, %dma_start3A_139] : memref<819200x128xf32, #tpu.memory_space<hbm>> -> memref<80x128xf32, #tpu.memory_space<hbm>>
        %dma_start3A_141 = arith.constant 0 : i32
        %dma_start3A_142 = arith.constant 0 : i32
        %dma_start3A_143 = tpu.memref_slice %arg7[%select_n3A_97, %dma_start3A_141, %dma_start3A_142] : memref<4x80x128xf32, #tpu.memory_space<vmem>> -> memref<1x80x128xf32, #tpu.memory_space<vmem>>
        %dma_start3A_144 = tpu.memref_squeeze %dma_start3A_143 : memref<1x80x128xf32, #tpu.memory_space<vmem>> -> memref<80x128xf32, #tpu.memory_space<vmem>>
        tpu.enqueue_dma source(%dma_start3A_144 : memref<80x128xf32, #tpu.memory_space<vmem>>) target(%dma_start3A_140 : memref<80x128xf32, #tpu.memory_space<hbm>>) target_semaphore(%arg10 : memref<!tpu.dma_semaphore, #tpu.memory_space<semaphore_mem>>)
        %dma_wait3A_145 = arith.constant 0 : i32
        %dma_wait3A_146 = arith.constant 0 : i32
        %dma_wait3A_147 = tpu.memref_slice %arg7[%select_n3A_115, %dma_wait3A_145, %dma_wait3A_146] : memref<4x80x128xf32, #tpu.memory_space<vmem>> -> memref<1x80x128xf32, #tpu.memory_space<vmem>>
        %dma_wait3A_148 = tpu.memref_squeeze %dma_wait3A_147 : memref<1x80x128xf32, #tpu.memory_space<vmem>> -> memref<80x128xf32, #tpu.memory_space<vmem>>
        %dma_wait3A_149 = arith.constant 0 : i32
        %dma_wait3A_150 = arith.constant 0 : i32
        %dma_wait3A_151 = tpu.memref_slice %arg5[%dma_wait3A_149, %dma_wait3A_150] : memref<10000x128xf32, #tpu.memory_space<vmem_shared>> -> memref<80x128xf32, #tpu.memory_space<vmem_shared>>
        %dma_wait3A_152 = arith.constant 0 : i32
        %dma_wait3A_153 = arith.constant 0 : i32
        %dma_wait3A_154 = tpu.memref_slice %arg7[%select_n3A_115, %dma_wait3A_152, %dma_wait3A_153] : memref<4x80x128xf32, #tpu.memory_space<vmem>> -> memref<1x80x128xf32, #tpu.memory_space<vmem>>
        %dma_wait3A_155 = tpu.memref_squeeze %dma_wait3A_154 : memref<1x80x128xf32, #tpu.memory_space<vmem>> -> memref<80x128xf32, #tpu.memory_space<vmem>>
        %dma_wait3A_156 = arith.constant 0 : i32
        %dma_wait3A_157 = arith.constant 0 : i32
        %dma_wait3A_158 = tpu.memref_slice %arg5[%dma_wait3A_156, %dma_wait3A_157] : memref<10000x128xf32, #tpu.memory_space<vmem_shared>> -> memref<80x128xf32, #tpu.memory_space<vmem_shared>>
        tpu.wait_dma2 semaphore(%arg9 : memref<!tpu.dma_semaphore, #tpu.memory_space<semaphore_mem>>) src(%dma_wait3A_158 : memref<80x128xf32, #tpu.memory_space<vmem_shared>>) dst(%dma_wait3A_155 : memref<80x128xf32, #tpu.memory_space<vmem>>)
        %add3A_159 = arith.constant 1 : i32
        %add3A_160 = arith.addi %mul3A_86, %add3A_159 : i32
        %mul3A_161 = arith.constant 80 : i32
        %mul3A_162 = arith.muli %add3A_160, %mul3A_161 : i32
        %add3A_163 = arith.addi %mul3A_17, %mul3A_162 : i32
        %dma_start3A_164 = arith.constant 0 : i32
        %dma_start3A_165 = arith.constant 0 : i32
        %dma_start3A_166 = tpu.memref_slice %arg7[%select_n3A_115, %dma_start3A_164, %dma_start3A_165] : memref<4x80x128xf32, #tpu.memory_space<vmem>> -> memref<1x80x128xf32, #tpu.memory_space<vmem>>
        %dma_start3A_167 = tpu.memref_squeeze %dma_start3A_166 : memref<1x80x128xf32, #tpu.memory_space<vmem>> -> memref<80x128xf32, #tpu.memory_space<vmem>>
        %dma_start3A_168 = arith.constant 0 : i32
        %dma_start3A_169 = tpu.memref_slice %arg4[%add3A_163, %dma_start3A_168] : memref<819200x128xf32, #tpu.memory_space<hbm>> -> memref<80x128xf32, #tpu.memory_space<hbm>>
        %dma_start3A_170 = arith.constant 0 : i32
        %dma_start3A_171 = tpu.memref_slice %arg4[%add3A_163, %dma_start3A_170] : memref<819200x128xf32, #tpu.memory_space<hbm>> -> memref<80x128xf32, #tpu.memory_space<hbm>>
        %dma_start3A_172 = arith.constant 0 : i32
        %dma_start3A_173 = arith.constant 0 : i32
        %dma_start3A_174 = tpu.memref_slice %arg7[%select_n3A_115, %dma_start3A_172, %dma_start3A_173] : memref<4x80x128xf32, #tpu.memory_space<vmem>> -> memref<1x80x128xf32, #tpu.memory_space<vmem>>
        %dma_start3A_175 = tpu.memref_squeeze %dma_start3A_174 : memref<1x80x128xf32, #tpu.memory_space<vmem>> -> memref<80x128xf32, #tpu.memory_space<vmem>>
        tpu.enqueue_dma source(%dma_start3A_175 : memref<80x128xf32, #tpu.memory_space<vmem>>) target(%dma_start3A_171 : memref<80x128xf32, #tpu.memory_space<hbm>>) target_semaphore(%arg10 : memref<!tpu.dma_semaphore, #tpu.memory_space<semaphore_mem>>)
      } else {
      }
    }
    %scan3A_22 = arith.constant 161 : i32
    %dma_wait3A = arith.constant 0 : i32
    %dma_wait3A_23 = arith.constant 0 : i32
    %dma_wait3A_24 = arith.constant 0 : i32
    %dma_wait3A_25 = tpu.memref_slice %arg7[%dma_wait3A, %dma_wait3A_23, %dma_wait3A_24] : memref<4x80x128xf32, #tpu.memory_space<vmem>> -> memref<1x80x128xf32, #tpu.memory_space<vmem>>
    %dma_wait3A_26 = tpu.memref_squeeze %dma_wait3A_25 : memref<1x80x128xf32, #tpu.memory_space<vmem>> -> memref<80x128xf32, #tpu.memory_space<vmem>>
    %dma_wait3A_27 = arith.constant 0 : i32
    %dma_wait3A_28 = tpu.memref_slice %arg4[%mul3A_17, %dma_wait3A_27] : memref<819200x128xf32, #tpu.memory_space<hbm>> -> memref<80x128xf32, #tpu.memory_space<hbm>>
    %dma_wait3A_29 = arith.constant 0 : i32
    %dma_wait3A_30 = tpu.memref_slice %arg4[%mul3A_17, %dma_wait3A_29] : memref<819200x128xf32, #tpu.memory_space<hbm>> -> memref<80x128xf32, #tpu.memory_space<hbm>>
    %dma_wait3A_31 = arith.constant 0 : i32
    %dma_wait3A_32 = arith.constant 0 : i32
    %dma_wait3A_33 = tpu.memref_slice %arg7[%dma_wait3A, %dma_wait3A_31, %dma_wait3A_32] : memref<4x80x128xf32, #tpu.memory_space<vmem>> -> memref<1x80x128xf32, #tpu.memory_space<vmem>>
    %dma_wait3A_34 = tpu.memref_squeeze %dma_wait3A_33 : memref<1x80x128xf32, #tpu.memory_space<vmem>> -> memref<80x128xf32, #tpu.memory_space<vmem>>
    tpu.wait_dma2 semaphore(%arg10 : memref<!tpu.dma_semaphore, #tpu.memory_space<semaphore_mem>>) src(%dma_wait3A_34 : memref<80x128xf32, #tpu.memory_space<vmem>>) dst(%dma_wait3A_30 : memref<80x128xf32, #tpu.memory_space<hbm>>)
    %dma_wait3A_35 = arith.constant 1 : i32
    %dma_wait3A_36 = arith.constant 0 : i32
    %dma_wait3A_37 = arith.constant 0 : i32
    %dma_wait3A_38 = tpu.memref_slice %arg7[%dma_wait3A_35, %dma_wait3A_36, %dma_wait3A_37] : memref<4x80x128xf32, #tpu.memory_space<vmem>> -> memref<1x80x128xf32, #tpu.memory_space<vmem>>
    %dma_wait3A_39 = tpu.memref_squeeze %dma_wait3A_38 : memref<1x80x128xf32, #tpu.memory_space<vmem>> -> memref<80x128xf32, #tpu.memory_space<vmem>>
    %dma_wait3A_40 = arith.constant 0 : i32
    %dma_wait3A_41 = tpu.memref_slice %arg4[%mul3A_17, %dma_wait3A_40] : memref<819200x128xf32, #tpu.memory_space<hbm>> -> memref<80x128xf32, #tpu.memory_space<hbm>>
    %dma_wait3A_42 = arith.constant 0 : i32
    %dma_wait3A_43 = tpu.memref_slice %arg4[%mul3A_17, %dma_wait3A_42] : memref<819200x128xf32, #tpu.memory_space<hbm>> -> memref<80x128xf32, #tpu.memory_space<hbm>>
    %dma_wait3A_44 = arith.constant 0 : i32
    %dma_wait3A_45 = arith.constant 0 : i32
    %dma_wait3A_46 = tpu.memref_slice %arg7[%dma_wait3A_35, %dma_wait3A_44, %dma_wait3A_45] : memref<4x80x128xf32, #tpu.memory_space<vmem>> -> memref<1x80x128xf32, #tpu.memory_space<vmem>>
    %dma_wait3A_47 = tpu.memref_squeeze %dma_wait3A_46 : memref<1x80x128xf32, #tpu.memory_space<vmem>> -> memref<80x128xf32, #tpu.memory_space<vmem>>
    tpu.wait_dma2 semaphore(%arg10 : memref<!tpu.dma_semaphore, #tpu.memory_space<semaphore_mem>>) src(%dma_wait3A_47 : memref<80x128xf32, #tpu.memory_space<vmem>>) dst(%dma_wait3A_43 : memref<80x128xf32, #tpu.memory_space<hbm>>)
    %dma_wait3A_48 = arith.constant 2 : i32
    %dma_wait3A_49 = arith.constant 0 : i32
    %dma_wait3A_50 = arith.constant 0 : i32
    %dma_wait3A_51 = tpu.memref_slice %arg7[%dma_wait3A_48, %dma_wait3A_49, %dma_wait3A_50] : memref<4x80x128xf32, #tpu.memory_space<vmem>> -> memref<1x80x128xf32, #tpu.memory_space<vmem>>
    %dma_wait3A_52 = tpu.memref_squeeze %dma_wait3A_51 : memref<1x80x128xf32, #tpu.memory_space<vmem>> -> memref<80x128xf32, #tpu.memory_space<vmem>>
    %dma_wait3A_53 = arith.constant 0 : i32
    %dma_wait3A_54 = tpu.memref_slice %arg4[%mul3A_17, %dma_wait3A_53] : memref<819200x128xf32, #tpu.memory_space<hbm>> -> memref<80x128xf32, #tpu.memory_space<hbm>>
    %dma_wait3A_55 = arith.constant 0 : i32
    %dma_wait3A_56 = tpu.memref_slice %arg4[%mul3A_17, %dma_wait3A_55] : memref<819200x128xf32, #tpu.memory_space<hbm>> -> memref<80x128xf32, #tpu.memory_space<hbm>>
    %dma_wait3A_57 = arith.constant 0 : i32
    %dma_wait3A_58 = arith.constant 0 : i32
    %dma_wait3A_59 = tpu.memref_slice %arg7[%dma_wait3A_48, %dma_wait3A_57, %dma_wait3A_58] : memref<4x80x128xf32, #tpu.memory_space<vmem>> -> memref<1x80x128xf32, #tpu.memory_space<vmem>>
    %dma_wait3A_60 = tpu.memref_squeeze %dma_wait3A_59 : memref<1x80x128xf32, #tpu.memory_space<vmem>> -> memref<80x128xf32, #tpu.memory_space<vmem>>
    tpu.wait_dma2 semaphore(%arg10 : memref<!tpu.dma_semaphore, #tpu.memory_space<semaphore_mem>>) src(%dma_wait3A_60 : memref<80x128xf32, #tpu.memory_space<vmem>>) dst(%dma_wait3A_56 : memref<80x128xf32, #tpu.memory_space<hbm>>)
    %dma_wait3A_61 = arith.constant 3 : i32
    %dma_wait3A_62 = arith.constant 0 : i32
    %dma_wait3A_63 = arith.constant 0 : i32
    %dma_wait3A_64 = tpu.memref_slice %arg7[%dma_wait3A_61, %dma_wait3A_62, %dma_wait3A_63] : memref<4x80x128xf32, #tpu.memory_space<vmem>> -> memref<1x80x128xf32, #tpu.memory_space<vmem>>
    %dma_wait3A_65 = tpu.memref_squeeze %dma_wait3A_64 : memref<1x80x128xf32, #tpu.memory_space<vmem>> -> memref<80x128xf32, #tpu.memory_space<vmem>>
    %dma_wait3A_66 = arith.constant 0 : i32
    %dma_wait3A_67 = tpu.memref_slice %arg4[%mul3A_17, %dma_wait3A_66] : memref<819200x128xf32, #tpu.memory_space<hbm>> -> memref<80x128xf32, #tpu.memory_space<hbm>>
    %dma_wait3A_68 = arith.constant 0 : i32
    %dma_wait3A_69 = tpu.memref_slice %arg4[%mul3A_17, %dma_wait3A_68] : memref<819200x128xf32, #tpu.memory_space<hbm>> -> memref<80x128xf32, #tpu.memory_space<hbm>>
    %dma_wait3A_70 = arith.constant 0 : i32
    %dma_wait3A_71 = arith.constant 0 : i32
    %dma_wait3A_72 = tpu.memref_slice %arg7[%dma_wait3A_61, %dma_wait3A_70, %dma_wait3A_71] : memref<4x80x128xf32, #tpu.memory_space<vmem>> -> memref<1x80x128xf32, #tpu.memory_space<vmem>>
    %dma_wait3A_73 = tpu.memref_squeeze %dma_wait3A_72 : memref<1x80x128xf32, #tpu.memory_space<vmem>> -> memref<80x128xf32, #tpu.memory_space<vmem>>
    tpu.wait_dma2 semaphore(%arg10 : memref<!tpu.dma_semaphore, #tpu.memory_space<semaphore_mem>>) src(%dma_wait3A_73 : memref<80x128xf32, #tpu.memory_space<vmem>>) dst(%dma_wait3A_69 : memref<80x128xf32, #tpu.memory_space<hbm>>)
    return
  }
}

</mosaic_0001>

<sc_bundles>
// kernel: kernel.3.cloned.1.call-start
scs
__scs_entry_jumppad:
0x0: {  	(pc) =	sbr.rel $0x88, $3  }
0x1: {  	(tag) =	ssettag $0x0;
	lr =	simm.s32 $0x1  }
0x2: {  	[smem:$0x3F9F] =	sst lr;
	_ =	strace $0xD0000000  }
0x3: {  	_ = 	snop  }
0x4: {  	_ = 	snop  }
0x5: {  	_ = 	snop  }
0x6: {  	_ = 	snop  }
0x7: {  	_ = 	snop  }
__scs_overlays_trampoline_lowered:
0x8: {  	[smem:$0x3FAE] =	sst s0  }
0x9: {  	[smem:$0x3FAF] =	sst s1  }
0xa: {  	[smem:$0x3FB0] =	sst s2  }
0xb: {  	[smem:$0x3FB1] =	sst s3  }
0xc: {  	[smem:$0x3FB2] =	sst s4  }
0xd: {  	[smem:$0x3FB3] =	sst s5  }
0xe: {  	[smem:$0x3FB4] =	sst s6  }
0xf: {  	[smem:$0x3FB5] =	sst s7  }
0x10: {  	[smem:$0x3FB6] =	sst s8  }
0x11: {  	[smem:$0x3FB7] =	sst s9;
	s0 =	simm.s32 @!p0 $0x0  }
0x12: {  	s1 =	sld [smem:$0x3F9D];
	s0 =	simm.s32 @p0 $0x1  }
0x13: {  	[smem:$0x3FB8] =	sst s0;
	s0 =	simm.s32 @!p1 $0x0  }
0x14: {  	s2 =	sld [smem:$0x3F9C];
	s0 =	simm.s32 @p1 $0x1  }
0x15: {  	[smem:$0x3FB9] =	sst s0;
	s0 =	simm.s32 @!p2 $0x0  }
0x16: {  	s3 =	sld [smem:$0x3FDB];
	s0 =	simm.s32 @p2 $0x1  }
0x17: {  	s4 =	simm.s32 $0x1BF5;
	[smem:$0x3FBB] =	sst s0  }
0x18: {  	s0 =	sld [smem:$0x3F9E];
	_ =	swait.ge [sflag:s4], $0x0  }
0x19: {  	s7 =	sld [smem:$0x3F9F]  }
0x1a: {  	s8 =	sadd.s32 $0xFFFFE003, lr  }
0x1b: {  	s9 =	sadd.s32 $0xFFFFFEF7, lr;
	s5 =	simm.s32 $0xFFFFFFFF;
	p2 =	slt.u32 s8, $0xFFFFF086  }
0x1c: {  	p1 =	slt.u32 s9, $0xF7A;
	s5 =	simm.s32 @!p2 $0x0  }
0x1d: {  	s5 =	simm.s32 @p1 $0x1;
	p0 =	seq.s32 s7, s2  }
0x1e: {  	s7 =	smul.u32 @!p0 $0xF7A, s2;
	p2 =	seq.s32 @!p0 s5, $0x0  }
0x1f: {  	s9 =	smul.u32 $0xF7A, s1;
	s8 =	simm.s32 @!p0 $0x1BF5;
	p2 =	por !p2, p0  }
0x20: {  	[sflag:s8] =	ssyncset.s32 @!p0 $0xFFFFF086;
	s6 =	sadd.s32 @!p0 s3, s7;
	s7 =	simm.s32 @!p0 $0x108  }
0x21: {  	s3 =	sadd.s32 s3, s9;
	s6 =	sadd.s32 @!p0 $0x88, s6;
	s7 =	simm.s32 @p2 $0x1082  }
0x22: {  	[simem:s7], [sflag:s8] =	dma.local @!p0 [hbm:s6], $0xF7A  }
0x23: {  	s9 =	sor.u32 $0xD0000000, s2;
	s6 =	simm.s32 $0x108;
	_ =	swait.ge @!p0 [sflag:s8], $0x0  }
0x24: {  	s3 =	sadd.s32 $0x88, s3;
	s6 =	simm.s32 @!p1 $0x1082;
	[sflag:s4] =	ssyncset.s32 $0xFFFFF086  }
0x25: {  	[simem:s6], [sflag:s4] =	dma.local [hbm:s3], $0xF7A  }
0x26: {  	[smem:$0x3F9F] =	sst s1;
	(tag) =	ssettag s2;
	_ =	strace s9  }
0x27: {  	s1 =	sld [smem:$0x3FAF]  }
0x28: {  	s2 =	sld [smem:$0x3FB0]  }
0x29: {  	s4 =	sld [smem:$0x3FB2]  }
0x2a: {  	p0 =	seq.s32 s5, $0x0;
	s5 =	sld [smem:$0x3FB3]  }
0x2b: {  	s6 =	sld [smem:$0x3FB4]  }
0x2c: {  	s7 =	sld [smem:$0x3FB5]  }
0x2d: {  	s3 =	simm.s32 $0x108;
	s8 =	sld [smem:$0x3FB6]  }
0x2e: {  	s3 =	simm.s32 @!p0 $0x1082;
	s9 =	sld [smem:$0x3FB7]  }
0x2f: {  	lr =	sadd.s32 s0, s3;
	s0 =	sld [smem:$0x3FAE]  }
0x30: {  	s3 =	sld [smem:$0x3FB1]  }
0x31: {  	[smem:$0x3FBA] =	sst s10  }
0x32: {  	s10 =	sld [smem:$0x3FB8];
	_ =	sdelay $0x3  }
0x33: {  	p0 =	seq.s32 s10, $0x1;
	s10 =	sld [smem:$0x3FBA];
	_ =	sdelay $0x3  }
0x34: {  	[smem:$0x3FBA] =	sst s10  }
0x35: {  	s10 =	sld [smem:$0x3FB9];
	_ =	sdelay $0x3  }
0x36: {  	p1 =	seq.s32 s10, $0x1;
	s10 =	sld [smem:$0x3FBA];
	_ =	sdelay $0x3  }
0x37: {  	[smem:$0x3FBA] =	sst s10  }
0x38: {  	s10 =	sld [smem:$0x3FBB]  }
0x39: {  	_ = 	snop;
	(pc) =	sbr.ind lr, $3  }
0x3a: {  	_ = 	snop  }
0x3b: {  	_ = 	snop  }
0x3c: {  	p2 =	seq.s32 s10, $0x1;
	s10 =	sld [smem:$0x3FBA]  }
0x3d: {  	_ =	shalt  }
0x3e: {  	_ =	shalt  }
0x3f: {  	_ =	shalt  }
0x40: {  	_ =	shalt  }
0x41: {  	_ =	shalt  }
0x42: {  	_ =	shalt  }
0x43: {  	_ =	shalt  }
0x44: {  	_ =	shalt  }
0x45: {  	_ =	shalt  }
0x46: {  	_ =	shalt  }
0x47: {  	_ =	shalt  }
0x48: {  	_ =	shalt  }
0x49: {  	_ =	shalt  }
0x4a: {  	_ =	shalt  }
0x4b: {  	_ =	shalt  }
0x4c: {  	_ =	shalt  }
0x4d: {  	_ =	shalt  }
0x4e: {  	_ =	shalt  }
0x4f: {  	_ =	shalt  }
0x50: {  	_ =	shalt  }
0x51: {  	_ =	shalt  }
0x52: {  	_ =	shalt  }
0x53: {  	_ =	shalt  }
0x54: {  	_ =	shalt  }
0x55: {  	_ =	shalt  }
0x56: {  	_ =	shalt  }
0x57: {  	_ =	shalt  }
0x58: {  	_ =	shalt  }
0x59: {  	_ =	shalt  }
0x5a: {  	_ =	shalt  }
0x5b: {  	_ =	shalt  }
0x5c: {  	_ =	shalt  }
0x5d: {  	_ =	shalt  }
0x5e: {  	_ =	shalt  }
0x5f: {  	_ =	shalt  }
0x60: {  	_ =	shalt  }
0x61: {  	_ =	shalt  }
0x62: {  	_ =	shalt  }
0x63: {  	_ =	shalt  }
0x64: {  	_ =	shalt  }
0x65: {  	_ =	shalt  }
0x66: {  	_ =	shalt  }
0x67: {  	_ =	shalt  }
0x68: {  	_ =	shalt  }
0x69: {  	_ =	shalt  }
0x6a: {  	_ =	shalt  }
0x6b: {  	_ =	shalt  }
0x6c: {  	_ =	shalt  }
0x6d: {  	_ =	shalt  }
0x6e: {  	_ =	shalt  }
0x6f: {  	_ =	shalt  }
0x70: {  	_ =	shalt  }
0x71: {  	_ =	shalt  }
0x72: {  	_ =	shalt  }
0x73: {  	_ =	shalt  }
0x74: {  	_ =	shalt  }
0x75: {  	_ =	shalt  }
0x76: {  	_ =	shalt  }
0x77: {  	_ =	shalt  }
0x78: {  	_ =	shalt  }
0x79: {  	_ =	shalt  }
0x7a: {  	_ =	shalt  }
0x7b: {  	_ =	shalt  }
0x7c: {  	_ =	shalt  }
0x7d: {  	_ =	shalt  }
0x7e: {  	_ =	shalt  }
0x7f: {  	_ =	shalt  }
0x80: {  	_ =	shalt  }
0x81: {  	_ =	shalt  }
0x82: {  	_ =	shalt  }
0x83: {  	_ =	shalt  }
0x84: {  	_ =	shalt  }
0x85: {  	_ =	shalt  }
0x86: {  	_ =	shalt  }
0x87: {  	_ =	shalt  }
.Lfunc_end0:
.L_simem_size_0:
called_computation_lowered:
.L_overlay_start_0:
0x88: {  	s2 =	sld [smem:$0x3FD9]  }
0x89: {  	s3 =	sld [smem:$0x3FFE];
	_ =	sdelay $0x1  }
0x8a: {  	s1 =	srdreg.scid  }
0x8b: {  	s0 =	sand.u32 $0x1, s1  }
0x8c: {  	s17 =	sshll.u32 s0, $0xA;
	s2 =	sadd.s32 s3, s2  }
0x8d: {  	s2 =	sadd.s32 s2, s17  }
0x8e: {  	[smem:$0x3FC6] =	sst s2  }
0x8f: {  	_ = 	snop  }
0x90: {  	s2 =	sld [smem:$0x3FC8]  }
0x91: {  	s18 =	sld [smem:$0x3FD0];
	(tm) =	ssettm $0x1  }
0x92: {  	s4 =	sld [smem:$0x3FFB];
	_ =	sdelay $0x3  }
0x93: {  	_ =	strace s4  }
0x94: {  	s4 =	sld [smem:$0x3FFC];
	_ =	sdelay $0x3  }
0x95: {  	_ =	strace s4  }
0x96: {  	s4 =	sld [smem:$0x3FFD];
	_ =	sdelay $0x3  }
0x97: {  	_ =	strace s4  }
0x98: {  	_ =	strace $0x8FFFFFFF  }
0x99: {  	s19 =	sld [smem:$0x3FDB];
	_ =	sdelay $0x1  }
0x9a: {  	s5 =	simm.s32 $_scs_section_size  }
0x9b: {  	s6 =	simm.s32 $_size__tile_overlayer_lowered;
	s7 =	simm.s32 $_tile_overlayer_lowered  }
0x9c: {  	s22 =	simm.s32 $0x1BFF;
	s21 =	sshll.u32 s7, $0x1;
	s4 =	sadd.s32 s5, s19  }
0x9d: {  	s8 =	simm.s32 $0x0;
	s20 =	sshll.u32 s6, $0x1;
	s6 =	sadd.s32 s21, s4  }
0x9e: {  	[timem:s8], [sflag:s22] =	dma.local [hbm:s6], s20  }
0x9f: {  	_ =	swait.ge [sflag:s22], s20  }
0xa0: {  	s5 =	ssub.s32 $0x0, s20;
	[sflag:s22] =	ssyncset.done $0x0  }
0xa1: {  	[sflag:s22] =	ssyncadd.s32 s5;
	_ =	sdelay $0x1  }
0xa2: {  	s23 =	simm.s32 $0x1B8B  }
0xa3: {  	_ =	swait.ge [sflag:s23], $0x1  }
0xa4: {  	[sflag:s23] =	ssyncset.done $0x0  }
0xa5: {  	s25 =	simm.s32 $0x1B8E;
	s24 =	sld [smem:$0x3FFE];
	[sflag:s23] =	ssyncadd.s32 $0xFFFFFFFF  }
0xa6: {  	s26 =	simm.s32 $execute0_lowered;
	[smem:$0x3FD2] =	sst s25  }
0xa7: {  	s6 =	sshll.u32 s26, $0x1;
	_ =	strace $0x80000046;
	[dreg:$0x1] =	wrdreg $0xFFFFFFFF  }
0xa8: {  	s28 =	simm.s32 $_size_execute0_lowered;
	s4 =	sadd.s32 s4, s6;
	[dreg:$0x0] =	wrdreg $0x0  }
0xa9: {  	s6 =	sshll.u32 s28, $0x1;
	[dreg:$0x2] =	wrdreg s4  }
0xaa: {  	[dreg:$0x3] =	wrdreg s6  }
0xab: {  	[dreg:$0x4] =	wrdreg $0xC0  }
0xac: {  	_ =	task [dreg:s8], $0x5FFFF  }
0xad: {  	[dreg:$0x1] =	wrdreg $0xFFFFFFFF  }
0xae: {  	[dreg:$0x0] =	wrdreg $0x60  }
0xaf: {  	[dreg:$0x2] =	wrdreg s24  }
0xb0: {  	[dreg:$0x3] =	wrdreg s2  }
0xb1: {  	[dreg:$0x4] =	wrdreg s18  }
0xb2: {  	[dreg:$0x5] =	wrdreg $0x0  }
0xb3: {  	[dreg:$0x6] =	wrdreg $0x9  }
0xb4: {  	_ =	task.clear_ibuf [dreg:s8], $0x7FFFF;
	_ =	strace $0x90000046  }
0xb5: {  	s29 =	simm.s32 $0x9;
	_ =	strace $0x80000048  }
0xb6: {  	_ =	swait.ge [sflag:s29], $0x1  }
0xb7: {  	[sflag:s29] =	ssyncadd.s32 $0xFFFFFFFF  }
0xb8: {  	_ =	strace $0x90000048  }
0xb9: {  	_ =	sfence  }
0xba: {  	s30 =	sld [smem:$0x0];
	_ =	sdelay $0x2  }
0xbb: {  	s31 =	sshll.u32 s1, $0xD;
	s1 =	sshrl.u32 s1, $0x2  }
0xbc: {  	s3 =	sand.u32 $0x4000, s31;
	s1 =	sadd.s32 s1, s30  }
0xbd: {  	s0 =	sor.u32 s3, s0;
	s1 =	sshll.u32 s1, $0x11  }
0xbe: {  	s0 =	sor.u32 s1, s0  }
0xbf: {  	s0 =	sadd.s32 $0x8F2B, s0  }
0xc0: {  	[sflag:s0] =	ssyncadd.remote.s32 $0x1  }
0xc1: {  	_ =	sfence.sel $0xFFFF  }
0xc2: {  	[dreg:$0x0] =	wrdreg $0xFFFFFFFF;
	(pc) =	sbr.abs _section_cstart, $3  }
0xc3: {  	[dreg:$0x1] =	wrdreg $0xFFFFFFFF  }
0xc4: {  	_ =	task.clear_ibuf [dreg:s8], $0x2FFFF;
	_ =	strace $0x9FFFFFFF  }
0xc5: {  	(tm) =	ssettm $0x7FFFFFFF  }
tec
execute0_lowered:
.L_overlay_start_1:
0x0: {  	(tag) =	ssettag $0x1  }
0x1: {  	s4 =	rddreg [dreg:$0x0]  }
0x2: {  	s8 =	rddreg [dreg:$0x1]  }
0x3: {  	s9 =	rddreg [dreg:$0x2]  }
0x4: {  	s1 =	rddreg [dreg:$0x3]  }
0x5: {  	s0 =	rddreg [dreg:$0x4];
	s3 =	simm.s32 $0x0  }
0x6: {  	s5 =	srdreg.scid;
	s2 =	stileid.u32;
	s18 =	simm.s32 $0x3  }
0x7: {  	s19 =	simm.s32 $0x1;
	s20 =	simm.s32 $0x50;
	s21 =	simm.s32 $0x0  }
0x8: {  	[smem:$0x7FF] =	sst s3;
	s7 =	sand.u32 $0x1, s5;
	s11 =	smul.u32 $0x4F000, s2  }
0x9: {  	s28 =	sshrl.u32 s2, $0x2;
	s6 =	sshll.u32 s2, $0x8;
	s13 =	smul.u32 $0x2780, s2  }
0xa: {  	s4 =	sadd.s32 $0x400, s4;
	s30 =	smul.u32 $0xC8000, s2;
	s15 =	sadd.s32 $0x128400, s1  }
0xb: {  	p0 =	seq.s32 s2, $0xF;
	_ =	strace $0x80000047;
	s5 =	smul.u32 $0x32000, s28  }
0xc: {  	s10 =	sshll.u32 s7, $0x7;
	s29 =	ssub.s32 $0x2, s7;
	s14 =	smul.u32 $0x64000, s7  }
0xd: {  	s17 =	sshll.u32 @!p0 s2, $0x6;
	s6 =	sor.u32 s10, s6;
	s12 =	sshrl.u32 s29, $0x1  }
0xe: {  	s11 =	sshrl.u32 s11, $0x2;
	s7 =	sadd.s32 s8, s13;
	s9 =	sadd.s32 s30, s9  }
0xf: {  	s8 =	sadd.s32 $0x25080, s8;
	s13 =	simm.s32 $0x13880;
	s6 =	sand.u32 $0x380, s6  }
.Ltmp0:
0x10: {  	s10 =	ssub.s32 s29, s12;
	s16 =	sadd.s32 s11, s1;
	(pc) =	sbr.rel .LBB2_1-.Ltmp0, $4  }
0x11: {  	s31 =	sadd.s32 s14, s9;
	s11 =	simm.s32 $0x80;
	s12 =	simm.s32 $0x400  }
0x12: {  	s14 =	sshrl.u32 @p0 s15, $0x3;
	s15 =	sor.u32 @!p0 $0x1C04, s17;
	s5 =	sor.u32 s5, s6  }
0x13: {  	s17 =	simm.s32 $0x2;
	s9 =	smax.u32 s10, $0x1;
	s6 =	sshrl.u32 s5, $0x3  }
0x14: {  	s10 =	sadd.s32 $0xFFFFFB00, s31;
	s16 =	sshrl.u32 @!p0 s16, $0x3;
	s6 =	sadd.s32 s4, s6  }
.LBB2_11:
0x15: {  	_ =	swait.ge [sflag:s18], $0x2800  }
0x16: {  	[sflag:s18] =	ssyncset.done $0x0  }
0x17: {  	[sflag:s18] =	ssyncadd.s32 $0xFFFFD800  }
0x18: {  	_ =	swait.ge [sflag:s18], $0x2800  }
0x19: {  	[sflag:s18] =	ssyncset.done $0x0  }
0x1a: {  	s21 =	sadd.s32 $0x1, s21;
	[sflag:s18] =	ssyncadd.s32 $0xFFFFD800  }
0x1b: {  	p1 =	sne.s32 s21, s9;
	_ =	swait.ge [sflag:s18], $0x2800  }
.Ltmp1:
0x1c: {  	[sflag:s18] =	ssyncset.done $0x0;
	(pc) =	sbr.rel @!p1 .LBB2_12-.Ltmp1, $4  }
0x1d: {  	[sflag:s18] =	ssyncadd.s32 $0xFFFFD800  }
0x1e: {  	_ =	swait.ge [sflag:s18], $0x2800  }
0x1f: {  	[sflag:s18] =	ssyncset.done $0x0  }
0x20: {  	[sflag:s18] =	ssyncadd.s32 $0xFFFFD800  }
.LBB2_1:
0x21: {  	[tilespmem:s13], [sflag:$0x1] =	stream.strided.gather [hbm4b:s6+s11], $0xA00, s12, s11, $0x38;
	[tilespmem:$0x1EC80] =	vst v63  }
0x22: {  	s22 =	simm.s32 @p0 $0x1FC4  }
0x23: {  	[spmem:s14], [sflag:s22] =	dma.local @p0 [hbm:s8], $0x2080  }
0x24: {  	s22 =	simm.s32 @p0 $0x4  }
0x25: {  	_ =	swait.ge @p0 [sflag:s22], $0x2080  }
0x26: {  	[sflag:s22] =	ssyncset.done @p0 $0x0  }
0x27: {  	[sflag:s22] =	ssyncadd.s32 @p0 $0xFFFFDF80;
	s22 =	simm.s32 @!p0 $0x4  }
0x28: {  	[spmem:s16], [sflag:s15] =	dma.local @!p0 [hbm:s7], $0x2780  }
.Ltmp2:
0x29: {  	_ =	swait.ge @!p0 [sflag:s22], $0x2780;
	(pc) =	sbr.rel .LBB2_2-.Ltmp2, $4  }
0x2a: {  	[sflag:s22] =	ssyncset.done @!p0 $0x0  }
0x2b: {  	[sflag:s22] =	ssyncadd.s32 @!p0 $0xFFFFD880  }
0x2c: {  	[bflag:$0x0] =	sbarrier.arrive $0xFFFF  }
0x2d: {  	s23 =	simm.s32 $0x0;
	s24 =	simm.s32 $0x0;
	s22 =	smov.u32 s10  }
.LBB2_9:
0x2e: {  	s25 =	sadd.s32 $0xFFFFFFFE, s23  }
0x2f: {  	s25 =	sand.u32 $0x2, s25  }
0x30: {  	s25 =	smul.u32 $0xA000, s25  }
0x31: {  	_ =	swait.ge [sflag:s17], $0x2800  }
0x32: {  	s26 =	sadd.s32 $0xFFFFFB00, s22;
	[sflag:s17] =	ssyncset.done $0x0;
	s25 =	sshrl.u32 s25, $0x2  }
0x33: {  	s31 =	sadd.s32 $0xFFFFFFFF, s23;
	[sflag:s17] =	ssyncadd.s32 $0xFFFFD800;
	s25 =	sadd.s32 $0x14C80, s25  }
0x34: {  	[hbm4b:s26+s3] =	stream.linear.scatter [tilespmem:s25], [sflag:$0x3], $0x2800, $0x38;
	[tilespmem:$0x1EC80] =	vst v63  }
0x35: {  	s25 =	sand.u32 $0x3, s31  }
0x36: {  	s25 =	smul.u32 $0xA000, s25  }
0x37: {  	_ =	swait.ge [sflag:s17], $0x2800  }
0x38: {  	[sflag:s17] =	ssyncset.done $0x0;
	s25 =	sshrl.u32 s25, $0x2  }
0x39: {  	[sflag:s17] =	ssyncadd.s32 $0xFFFFD800;
	s25 =	sadd.s32 $0x14C80, s25  }
0x3a: {  	[hbm4b:s22+s3] =	stream.linear.scatter [tilespmem:s25], [sflag:$0x3], $0x2800, $0x38;
	[tilespmem:$0x1EC80] =	vst v63  }
.LBB2_10:
0x3b: {  	s23 =	sadd.s32 $0x2, s23  }
0x3c: {  	p1 =	sne.s32 s23, $0x142  }
.Ltmp3:
0x3d: {  	_ = 	snop;
	(pc) =	sbr.rel @!p1 .LBB2_11-.Ltmp3, $2  }
0x3e: {  	_ =	sdelay $0x2  }
0x3f: {  	s24 =	sadd.s32 $0x1, s24;
	s22 =	sadd.s32 $0xA00, s22  }
.LBB2_2:
0x40: {  	p1 =	seq.s32 s23, $0x140  }
.Ltmp4:
0x41: {  	_ = 	snop;
	(pc) =	sbr.rel @p1 .LBB2_9-.Ltmp4, $1  }
0x42: {  	_ =	sdelay $0x3  }
0x43: {  	s25 =	sand.u32 $0x1E, s23  }
0x44: {  	p1 =	sne.s32 s25, $0x0  }
.Ltmp5:
0x45: {  	_ = 	snop;
	(pc) =	sbr.rel @p1 .LBB2_6-.Ltmp5, $2  }
0x46: {  	_ =	sdelay $0x2  }
0x47: {  	s26 =	sshrl.u32 s24, $0x4  }
0x48: {  	p1 =	sgt.u32 s24, $0x8F  }
.Ltmp6:
0x49: {  	_ = 	snop;
	(pc) =	sbr.rel @p1 .LBB2_7-.Ltmp6, $4  }
0x4a: {  	_ = 	snop  }
0x4b: {  	_ =	swait.ge [sflag:s19], $0xA00  }
0x4c: {  	[sflag:s19] =	ssyncset.done $0x0  }
0x4d: {  	[sflag:s19] =	ssyncadd.s32 $0xFFFFF600  }
0x4e: {  	s28 =	sadd.s32 $0x1, s26  }
0x4f: {  	s29 =	smul.u32 $0x5000, s28;
	_ =	sdelay $0x1  }
0x50: {  	s28 =	sand.u32 $0x1, s28;
	s29 =	sadd.s32 s5, s29  }
0x51: {  	p1 =	seq.s32 s28, $0x1;
	s28 =	simm.s32 $0x14280;
	s29 =	sshrl.u32 s29, $0x3  }
0x52: {  	s28 =	simm.s32 @!p1 $0x13880;
	s29 =	sadd.s32 s4, s29  }
0x53: {  	[tilespmem:s28], [sflag:$0x1] =	stream.strided.gather [hbm4b:s29+s11], $0xA00, s12, s11, $0x38;
	[tilespmem:$0x1EC80] =	vst v63  }
.LBB2_6:
0x54: {  	p1 =	slt.u32 s24, $0x2  }
.Ltmp7:
0x55: {  	_ = 	snop;
	(pc) =	sbr.rel @p1 .LBB2_8-.Ltmp7, $1  }
0x56: {  	_ =	sdelay $0x3  }
.LBB2_7:
0x57: {  	_ =	swait.ge [sflag:s18], $0x2800  }
0x58: {  	[sflag:s18] =	ssyncset.done $0x0  }
0x59: {  	[sflag:s18] =	ssyncadd.s32 $0xFFFFD800  }
0x5a: {  	_ =	swait.ge [sflag:s18], $0x2800  }
0x5b: {  	[sflag:s18] =	ssyncset.done $0x0  }
0x5c: {  	[sflag:s18] =	ssyncadd.s32 $0xFFFFD800  }
.LBB2_8:
0x5d: {  	s28 =	sand.u32 $0x2, s23;
	s26 =	sand.u32 $0x1, s26;
	s25 =	smul.u32 $0x140, s25  }
0x5e: {  	p1 =	seq.s32 s26, $0x1;
	s26 =	simm.s32 $0xA00;
	s28 =	smul.u32 $0xA000, s28  }
0x5f: {  	s26 =	simm.s32 @!p1 $0x0;
	s25 =	sshrl.u32 s25, $0x2;
	p1 =	seq.s32 s23, $0x0  }
.Ltmp8:
0x60: {  	s28 =	sshrl.u32 s28, $0x2;
	s25 =	sadd.s32 s25, s26;
	(pc) =	sbr.rel @!p1 .LBB2_9-.Ltmp8, $4  }
.Ltmp9:
0x61: {  	s30 =	sadd.s32 $0x14C80, s28;
	s25 =	sadd.s32 $0x13880, s25;
	(pc) =	sbr.rel @p1 .LBB2_10-.Ltmp9, $4  }
0x62: {  	[tilespmem:s30], [sflag:$0x2] =	stream.indirect.gather [spmem:s1], $0x80, s25, s20, $0xb8;
	[tilespmem:$0x1EC80] =	vst v63  }
0x63: {  	s31 =	sadd.s32 $0x17480, s28;
	s25 =	sadd.s32 $0x50, s25  }
0x64: {  	[tilespmem:s31], [sflag:$0x2] =	stream.indirect.gather [spmem:s1], $0x80, s25, s20, $0xb8;
	[tilespmem:$0x1EC80] =	vst v63  }
0x65: {  	_ = 	snop  }
.LBB2_12:
0x66: {  	_ =	sfence.sel $0x180000  }
0x67: {  	[bflag:$0x0] =	sbarrier.arrive $0xFFFF  }
0x68: {  	p0 =	sne.s32 s2, $0x0;
	_ =	strace $0x90000047  }
0x69: {  	s0 =	sadd.s32 @!p0 $0x100000, s0;
	[bflag:$0x2] =	sbarrier.arrive $0xFFFF  }
0x6a: {  	[sflag:s0] =	ssyncadd.tile.s32 @!p0 $0x1;
	_ =	shalt  }
.Lfunc_end2:
_tile_overlayer_lowered:
.L_overlay_start_2:
0x6b: {  	(tag) =	ssettag $0x2  }
0x6c: {  	s0 =	rddreg [dreg:$0x0];
	s2 =	stileid.u32  }
0x6d: {  	s1 =	rddreg [dreg:$0x1];
	p0 =	sne.s32 s2, $0x0  }
0x6e: {  	s3 =	rddreg [dreg:$0x2];
	[bflag:$0x3] =	sbarrier.arrive $0xFFFF;
	s2 =	simm.s32 @!p0 $0x1C04  }
0x6f: {  	[timem:s3], [sflag:s2] =	dma.local @!p0 [hbm:s0], s1  }
0x70: {  	s0 =	simm.s32 @!p0 $0x4  }
0x71: {  	_ =	swait.ge @!p0 [sflag:s0], s1  }
0x72: {  	s1 =	ssub.s32 @!p0 $0x0, s1;
	[sflag:s0] =	ssyncset.done @!p0 $0x0  }
0x73: {  	[sflag:s0] =	ssyncadd.s32 @!p0 s1  }
0x74: {  	[bflag:$0x3] =	sbarrier.arrive $0xFFFF  }
0x75: {  	_ =	shalt  }

</sc_bundles>
